<compile_context>
chip_gen: v7x
topology: tpu7x:2x2x1
jax: 0.10.2.dev20260603
libtpu: 0.0.44.dev20260713+nightly
codegen_flags: <defaults>
</compile_context>

<pallas_src>
import functools

import jax
import jax.numpy as jnp
from jax import lax
from jax.experimental import pallas as pl
from jax.experimental.pallas import tpu as pltpu
from jax.experimental.pallas import tpu_sc as plsc

_L = 16
_NC = 2
_NS = 16


@functools.lru_cache(maxsize=None)
def _build(bs, t_count, nbins, nedges):
    nw = _NC * _NS
    per_w = bs // nw
    groups = per_w // _L
    assert per_w * nw == bs and groups * _L == per_w

    mesh = plsc.VectorSubcoreMesh(core_axis_name="c", subcore_axis_name="s")
    wsz = t_count * nbins * nbins
    bsz = t_count * 2 * nedges

    @functools.partial(
        pl.kernel,
        out_type=jax.ShapeDtypeStruct((bs,), jnp.float32),
        mesh=mesh,
        compiler_params=pltpu.CompilerParams(needs_layout_passes=False),
        scratch_types=[
            pltpu.VMEM((t_count * nbins * nbins,), jnp.float32),
            pltpu.VMEM((t_count * 2 * nedges,), jnp.float32),
            pltpu.VMEM((per_w,), jnp.float32),
            pltpu.VMEM((per_w,), jnp.float32),
            pltpu.VMEM((per_w,), jnp.float32),
            pltpu.SemaphoreType.DMA,
            pltpu.SemaphoreType.DMA,
            pltpu.SemaphoreType.DMA,
            pltpu.SemaphoreType.DMA,
        ],
    )
    def tile_kernel(big_h, out_h,
                    w_v, b_v, s0_v, s1_v, o_v,
                    w_sem, b_sem, s0_sem, s1_sem):
        wid = lax.axis_index("s") * _NC + lax.axis_index("c")
        base = wid * per_w
        w_copy = pltpu.async_copy(big_h.at[pl.ds(0, wsz)], w_v, w_sem)
        b_copy = pltpu.async_copy(big_h.at[pl.ds(wsz, bsz)], b_v, b_sem)
        s0_copy = pltpu.async_copy(
            big_h.at[pl.ds(wsz + bsz + base, per_w)], s0_v, s0_sem)
        s1_copy = pltpu.async_copy(
            big_h.at[pl.ds(wsz + bsz + bs + base, per_w)], s1_v, s1_sem)
        s0_copy.wait()
        s1_copy.wait()
        b_copy.wait()
        w_copy.wait()

        lane = jnp.arange(_L, dtype=jnp.int32)
        inv = jnp.float32(nbins + 1.0 / t_count - 1.0)

        def one_group(g, carry):
            rows = g * _L + lane
            s0 = plsc.load_gather(s0_v, [rows])
            s1 = plsc.load_gather(s1_v, [rows])

            def t0_index(u, s, rowbase):
                cand = jnp.minimum(u.astype(jnp.int32), nbins - 1)
                ebase = cand + rowbase
                elo = plsc.load_gather(b_v, [ebase])
                ehi = plsc.load_gather(b_v, [ebase + 1])
                return (cand + (s >= ehi).astype(jnp.int32)
                        - (s < elo).astype(jnp.int32))

            v0 = t0_index(s0 * inv, s0, 0)
            v1 = t0_index(s1 * inv, s1, nedges)
            fbase = v0 * nbins + v1
            acc = plsc.load_gather(w_v, [fbase])
            for t in range(1, t_count):
                et0 = plsc.load_gather(b_v, [v0 + (t * 2 * nedges + 1)])
                et1 = plsc.load_gather(b_v, [v1 + ((t * 2 + 1) * nedges + 1)])
                d0 = jnp.where(s0 >= et0, nbins, 0)
                d1 = jnp.where(s1 >= et1, t * nbins * nbins + 1,
                               t * nbins * nbins)
                acc = acc + plsc.load_gather(w_v, [fbase + d0 + d1])
            plsc.store_scatter(o_v, [rows], acc)
            return carry

        lax.fori_loop(0, groups, one_group, 0)
        pltpu.sync_copy(o_v, out_h.at[pl.ds(base, per_w)])

    return tile_kernel


def kernel(state, weights, bins):
    bs, _ = state.shape
    t_count, nbins, _ = weights.shape
    nedges = bins.shape[-1]

    big = jnp.concatenate([
        weights.reshape(-1),
        bins.reshape(-1),
        state[:, 0],
        state[:, 1],
    ])

    fn = _build(bs, t_count, nbins, nedges)
    out = fn(big)
    return out[:, None]

# --- scband reference (transcript-rebuilt; emitter-appended) ---
"""Pipeline reference for scband-fast-tile-coding-1511828488616 (READ-ONLY COPY).

The authoritative reference and input builder live on the scoring server;
editing this copy changes nothing except your own understanding.
"""

import jax, jax.numpy as jnp
import numpy as np

NUM_BINS = 32
NUM_TILINGS = 16
NUM_DIMS = 2
BS = 4096
LIMITS = np.array([[0.0, 1.0], [0.0, 1.0]], dtype=np.float64)


def _make_bins():
    bins = np.zeros((NUM_TILINGS, NUM_DIMS, NUM_BINS + 1))
    for t in range(NUM_TILINGS):
        for d in range(NUM_DIMS):
            dim_range = LIMITS[d, 1] - LIMITS[d, 0]
            bin_size = dim_range / (NUM_BINS + (1.0 / NUM_TILINGS - 1.0))
            tiling_range = dim_range + bin_size * (1.0 - 1.0 / NUM_TILINGS)
            tiling_low = LIMITS[d, 0] - bin_size * t / NUM_TILINGS
            tiling_high = tiling_low + tiling_range
            bins[t, d, :] = np.linspace(tiling_low, tiling_high, num=NUM_BINS + 1)
    return jnp.asarray(bins, dtype=jnp.float32)


def setup_inputs(seed: int = 0) -> dict:
    key = jax.random.key(seed)
    k1, k2 = jax.random.split(key)
    state = jax.random.uniform(k1, (BS, NUM_DIMS), dtype=jnp.float32)
    weights = jax.random.normal(k2, (NUM_TILINGS, NUM_BINS, NUM_BINS), dtype=jnp.float32)
    bins = _make_bins()
    return {"state": state, "weights": weights, "bins": bins}


def reference(state, weights, bins):
    # state: [bs, D]; bins: [T, D, B+1]; weights: [T, B, B]
    s = state[:, None, :, None]                                  # [bs,1,D,1]
    masks = (bins[None, :, :, :-1] <= s) & (s < bins[None, :, :, 1:])  # [bs,T,D,B]
    edge = state[:, None, :] == bins[None, :, :, -1]             # [bs,T,D]
    masks = masks.at[:, :, :, -1].set(masks[:, :, :, -1] | edge)
    # build D-dim one-hot outer mask via broadcast-sum (D == 2)
    m0 = masks[:, :, 0, :].astype(jnp.int32)[:, :, :, None]      # [bs,T,B,1]
    m1 = masks[:, :, 1, :].astype(jnp.int32)[:, :, None, :]      # [bs,T,1,B]
    mask_sum = m0 + m1                                           # [bs,T,B,B]
    final_mask = mask_sum == NUM_DIMS
    sel = jnp.where(final_mask, weights[None, :, :, :], jnp.zeros((), dtype=weights.dtype))
    out = jnp.sum(sel, axis=(1, 2, 3))[:, None]                  # [bs,1]
    return out

if __name__ == "__main__":
    import jax
    _d = setup_inputs()
    print(jax.jit(kernel)(*tuple(_d.values())))

</pallas_src>

<mosaic_0001>
#map = affine_map<(d0, d1) -> (0)>
module attributes {stable_mosaic.version = 14 : i64} {
  func.func @tile_kernel(%arg0: i32, %arg1: i32, %arg2: memref<25632xf32, #tpu.memory_space<hbm>>, %arg3: memref<4096xf32, #tpu.memory_space<hbm>>, %arg4: memref<16384xf32, #tpu.memory_space<vmem>>, %arg5: memref<1056xf32, #tpu.memory_space<vmem>>, %arg6: memref<128xf32, #tpu.memory_space<vmem>>, %arg7: memref<128xf32, #tpu.memory_space<vmem>>, %arg8: memref<128xf32, #tpu.memory_space<vmem>>, %arg9: memref<!tpu.dma_semaphore, #tpu.memory_space<semaphore_mem>>, %arg10: memref<!tpu.dma_semaphore, #tpu.memory_space<semaphore_mem>>, %arg11: memref<!tpu.dma_semaphore, #tpu.memory_space<semaphore_mem>>, %arg12: memref<!tpu.dma_semaphore, #tpu.memory_space<semaphore_mem>>) attributes {dimension_semantics = [#tpu.dimension_semantics<core_parallel>, #tpu.dimension_semantics<subcore_parallel>], iteration_bounds = array<i64: 2, 16>, scalar_prefetch = 0 : i64, scratch_operands = 9 : i64, tpu.core_type = #tpu.core_type<sc_vector_subcore>, window_params = [{transform_indices = #map}, {transform_indices = #map}]} {
    %mul3A = arith.constant 2 : i32
    %mul3A_0 = arith.muli %arg1, %mul3A : i32
    %add3A = arith.addi %mul3A_0, %arg0 : i32
    %mul3A_1 = arith.constant 128 : i32
    %mul3A_2 = arith.muli %add3A, %mul3A_1 : i32
    %dma_start3A = arith.constant 0 : i32
    %dma_start3A_3 = tpu.memref_slice %arg2[%dma_start3A] : memref<25632xf32, #tpu.memory_space<hbm>> -> memref<16384xf32, #tpu.memory_space<hbm>>
    %dma_start3A_4 = arith.constant 0 : i32
    %dma_start3A_5 = tpu.memref_slice %arg2[%dma_start3A_4] : memref<25632xf32, #tpu.memory_space<hbm>> -> memref<16384xf32, #tpu.memory_space<hbm>>
    tpu.enqueue_dma source(%dma_start3A_5 : memref<16384xf32, #tpu.memory_space<hbm>>) target(%arg4 : memref<16384xf32, #tpu.memory_space<vmem>>) target_semaphore(%arg9 : memref<!tpu.dma_semaphore, #tpu.memory_space<semaphore_mem>>)
    %dma_start3A_6 = arith.constant 16384 : i32
    %dma_start3A_7 = tpu.memref_slice %arg2[%dma_start3A_6] : memref<25632xf32, #tpu.memory_space<hbm>> -> memref<1056xf32, #tpu.memory_space<hbm>>
    %dma_start3A_8 = arith.constant 16384 : i32
    %dma_start3A_9 = tpu.memref_slice %arg2[%dma_start3A_8] : memref<25632xf32, #tpu.memory_space<hbm>> -> memref<1056xf32, #tpu.memory_space<hbm>>
    tpu.enqueue_dma source(%dma_start3A_9 : memref<1056xf32, #tpu.memory_space<hbm>>) target(%arg5 : memref<1056xf32, #tpu.memory_space<vmem>>) target_semaphore(%arg10 : memref<!tpu.dma_semaphore, #tpu.memory_space<semaphore_mem>>)
    %add3A_10 = arith.constant 17440 : i32
    %add3A_11 = arith.addi %add3A_10, %mul3A_2 : i32
    %dma_start3A_12 = tpu.memref_slice %arg2[%add3A_11] : memref<25632xf32, #tpu.memory_space<hbm>> -> memref<128xf32, #tpu.memory_space<hbm>>
    %dma_start3A_13 = tpu.memref_slice %arg2[%add3A_11] : memref<25632xf32, #tpu.memory_space<hbm>> -> memref<128xf32, #tpu.memory_space<hbm>>
    tpu.enqueue_dma source(%dma_start3A_13 : memref<128xf32, #tpu.memory_space<hbm>>) target(%arg6 : memref<128xf32, #tpu.memory_space<vmem>>) target_semaphore(%arg11 : memref<!tpu.dma_semaphore, #tpu.memory_space<semaphore_mem>>)
    %add3A_14 = arith.constant 21536 : i32
    %add3A_15 = arith.addi %add3A_14, %mul3A_2 : i32
    %dma_start3A_16 = tpu.memref_slice %arg2[%add3A_15] : memref<25632xf32, #tpu.memory_space<hbm>> -> memref<128xf32, #tpu.memory_space<hbm>>
    %dma_start3A_17 = tpu.memref_slice %arg2[%add3A_15] : memref<25632xf32, #tpu.memory_space<hbm>> -> memref<128xf32, #tpu.memory_space<hbm>>
    tpu.enqueue_dma source(%dma_start3A_17 : memref<128xf32, #tpu.memory_space<hbm>>) target(%arg7 : memref<128xf32, #tpu.memory_space<vmem>>) target_semaphore(%arg12 : memref<!tpu.dma_semaphore, #tpu.memory_space<semaphore_mem>>)
    %dma_wait3A = tpu.memref_slice %arg2[%add3A_11] : memref<25632xf32, #tpu.memory_space<hbm>> -> memref<128xf32, #tpu.memory_space<hbm>>
    %dma_wait3A_18 = tpu.memref_slice %arg2[%add3A_11] : memref<25632xf32, #tpu.memory_space<hbm>> -> memref<128xf32, #tpu.memory_space<hbm>>
    tpu.wait_dma2 semaphore(%arg11 : memref<!tpu.dma_semaphore, #tpu.memory_space<semaphore_mem>>) src(%dma_wait3A_18 : memref<128xf32, #tpu.memory_space<hbm>>) dst(%arg6 : memref<128xf32, #tpu.memory_space<vmem>>)
    %dma_wait3A_19 = tpu.memref_slice %arg2[%add3A_15] : memref<25632xf32, #tpu.memory_space<hbm>> -> memref<128xf32, #tpu.memory_space<hbm>>
    %dma_wait3A_20 = tpu.memref_slice %arg2[%add3A_15] : memref<25632xf32, #tpu.memory_space<hbm>> -> memref<128xf32, #tpu.memory_space<hbm>>
    tpu.wait_dma2 semaphore(%arg12 : memref<!tpu.dma_semaphore, #tpu.memory_space<semaphore_mem>>) src(%dma_wait3A_20 : memref<128xf32, #tpu.memory_space<hbm>>) dst(%arg7 : memref<128xf32, #tpu.memory_space<vmem>>)
    %dma_wait3A_21 = arith.constant 16384 : i32
    %dma_wait3A_22 = tpu.memref_slice %arg2[%dma_wait3A_21] : memref<25632xf32, #tpu.memory_space<hbm>> -> memref<1056xf32, #tpu.memory_space<hbm>>
    %dma_wait3A_23 = arith.constant 16384 : i32
    %dma_wait3A_24 = tpu.memref_slice %arg2[%dma_wait3A_23] : memref<25632xf32, #tpu.memory_space<hbm>> -> memref<1056xf32, #tpu.memory_space<hbm>>
    tpu.wait_dma2 semaphore(%arg10 : memref<!tpu.dma_semaphore, #tpu.memory_space<semaphore_mem>>) src(%dma_wait3A_24 : memref<1056xf32, #tpu.memory_space<hbm>>) dst(%arg5 : memref<1056xf32, #tpu.memory_space<vmem>>)
    %dma_wait3A_25 = arith.constant 0 : i32
    %dma_wait3A_26 = tpu.memref_slice %arg2[%dma_wait3A_25] : memref<25632xf32, #tpu.memory_space<hbm>> -> memref<16384xf32, #tpu.memory_space<hbm>>
    %dma_wait3A_27 = arith.constant 0 : i32
    %dma_wait3A_28 = tpu.memref_slice %arg2[%dma_wait3A_27] : memref<25632xf32, #tpu.memory_space<hbm>> -> memref<16384xf32, #tpu.memory_space<hbm>>
    tpu.wait_dma2 semaphore(%arg9 : memref<!tpu.dma_semaphore, #tpu.memory_space<semaphore_mem>>) src(%dma_wait3A_28 : memref<16384xf32, #tpu.memory_space<hbm>>) dst(%arg4 : memref<16384xf32, #tpu.memory_space<vmem>>)
    %iota3A = tpu.iota {dimensions = array<i32: 0>} : vector<16xi32>
    %scan3A = arith.constant 0 : i32
    %scan3A_29 = arith.constant 3.106250e+01 : f32
    %scan3A_30 = arith.constant 0 : i32
    %scan3A_31 = arith.constant 8 : i32
    %scan3A_32 = arith.addi %scan3A_30, %scan3A_31 : i32
    %scan3A_33 = arith.constant 1 : i32
    scf.for %scan3A_35 = %scan3A_30 to %scan3A_32 step %scan3A_33  : i32 {
      %mul3A_36 = arith.constant 16 : i32
      %mul3A_37 = arith.muli %scan3A_35, %mul3A_36 : i32
      %add3A_38 = vector.broadcast %mul3A_37 : i32 to vector<16xi32>
      %add3A_39 = arith.addi %add3A_38, %iota3A : vector<16xi32>
      %gather3A = tpu.vector_load_idx %arg6[%add3A_39] : memref<128xf32, #tpu.memory_space<vmem>>[vector<16xi32>], vector<16xf32>,
      %gather3A_40 = tpu.vector_load_idx %arg7[%add3A_39] : memref<128xf32, #tpu.memory_space<vmem>>[vector<16xi32>], vector<16xf32>,
      %mul3A_41 = vector.broadcast %scan3A_29 : f32 to vector<16xf32>
      %mul3A_42 = arith.mulf %gather3A, %mul3A_41 : vector<16xf32>
      %convert_element_type3A = arith.fptosi %mul3A_42 : vector<16xf32> to vector<16xi32>
      %min3A = arith.constant 31 : i32
      %min3A_43 = vector.broadcast %min3A : i32 to vector<16xi32>
      %min3A_44 = arith.minsi %convert_element_type3A, %min3A_43 : vector<16xi32>
      %add3A_45 = arith.constant 0 : i32
      %add3A_46 = vector.broadcast %add3A_45 : i32 to vector<16xi32>
      %add3A_47 = arith.addi %min3A_44, %add3A_46 : vector<16xi32>
      %gather3A_48 = tpu.vector_load_idx %arg5[%add3A_47] : memref<1056xf32, #tpu.memory_space<vmem>>[vector<16xi32>], vector<16xf32>,
      %add3A_49 = arith.constant 1 : i32
      %add3A_50 = vector.broadcast %add3A_49 : i32 to vector<16xi32>
      %add3A_51 = arith.addi %add3A_47, %add3A_50 : vector<16xi32>
      %gather3A_52 = tpu.vector_load_idx %arg5[%add3A_51] : memref<1056xf32, #tpu.memory_space<vmem>>[vector<16xi32>], vector<16xf32>,
      %ge3A = arith.cmpf oge, %gather3A, %gather3A_52 : vector<16xf32>
      %convert_element_type3A_53 = arith.extui %ge3A : vector<16xi1> to vector<16xi32>
      %add3A_54 = arith.addi %min3A_44, %convert_element_type3A_53 : vector<16xi32>
      %lt3A = arith.cmpf olt, %gather3A, %gather3A_48 : vector<16xf32>
      %convert_element_type3A_55 = arith.extui %lt3A : vector<16xi1> to vector<16xi32>
      %sub3A = arith.subi %add3A_54, %convert_element_type3A_55 : vector<16xi32>
      %mul3A_56 = vector.broadcast %scan3A_29 : f32 to vector<16xf32>
      %mul3A_57 = arith.mulf %gather3A_40, %mul3A_56 : vector<16xf32>
      %convert_element_type3A_58 = arith.fptosi %mul3A_57 : vector<16xf32> to vector<16xi32>
      %min3A_59 = arith.constant 31 : i32
      %min3A_60 = vector.broadcast %min3A_59 : i32 to vector<16xi32>
      %min3A_61 = arith.minsi %convert_element_type3A_58, %min3A_60 : vector<16xi32>
      %add3A_62 = arith.constant 33 : i32
      %add3A_63 = vector.broadcast %add3A_62 : i32 to vector<16xi32>
      %add3A_64 = arith.addi %min3A_61, %add3A_63 : vector<16xi32>
      %gather3A_65 = tpu.vector_load_idx %arg5[%add3A_64] : memref<1056xf32, #tpu.memory_space<vmem>>[vector<16xi32>], vector<16xf32>,
      %add3A_66 = arith.constant 1 : i32
      %add3A_67 = vector.broadcast %add3A_66 : i32 to vector<16xi32>
      %add3A_68 = arith.addi %add3A_64, %add3A_67 : vector<16xi32>
      %gather3A_69 = tpu.vector_load_idx %arg5[%add3A_68] : memref<1056xf32, #tpu.memory_space<vmem>>[vector<16xi32>], vector<16xf32>,
      %ge3A_70 = arith.cmpf oge, %gather3A_40, %gather3A_69 : vector<16xf32>
      %convert_element_type3A_71 = arith.extui %ge3A_70 : vector<16xi1> to vector<16xi32>
      %add3A_72 = arith.addi %min3A_61, %convert_element_type3A_71 : vector<16xi32>
      %lt3A_73 = arith.cmpf olt, %gather3A_40, %gather3A_65 : vector<16xf32>
      %convert_element_type3A_74 = arith.extui %lt3A_73 : vector<16xi1> to vector<16xi32>
      %sub3A_75 = arith.subi %add3A_72, %convert_element_type3A_74 : vector<16xi32>
      %mul3A_76 = arith.constant 32 : i32
      %mul3A_77 = vector.broadcast %mul3A_76 : i32 to vector<16xi32>
      %mul3A_78 = arith.muli %sub3A, %mul3A_77 : vector<16xi32>
      %add3A_79 = arith.addi %mul3A_78, %sub3A_75 : vector<16xi32>
      %gather3A_80 = tpu.vector_load_idx %arg4[%add3A_79] : memref<16384xf32, #tpu.memory_space<vmem>>[vector<16xi32>], vector<16xf32>,
      %add3A_81 = arith.constant 67 : i32
      %add3A_82 = vector.broadcast %add3A_81 : i32 to vector<16xi32>
      %add3A_83 = arith.addi %sub3A, %add3A_82 : vector<16xi32>
      %gather3A_84 = tpu.vector_load_idx %arg5[%add3A_83] : memref<1056xf32, #tpu.memory_space<vmem>>[vector<16xi32>], vector<16xf32>,
      %add3A_85 = arith.constant 100 : i32
      %add3A_86 = vector.broadcast %add3A_85 : i32 to vector<16xi32>
      %add3A_87 = arith.addi %sub3A_75, %add3A_86 : vector<16xi32>
      %gather3A_88 = tpu.vector_load_idx %arg5[%add3A_87] : memref<1056xf32, #tpu.memory_space<vmem>>[vector<16xi32>], vector<16xf32>,
      %ge3A_89 = arith.cmpf oge, %gather3A, %gather3A_84 : vector<16xf32>
      %jit3A = arith.constant 32 : i32
      %jit3A_90 = arith.constant 0 : i32
      %broadcast_in_dim3A = vector.broadcast %jit3A : i32 to vector<16xi32>
      %broadcast_in_dim3A_91 = vector.broadcast %jit3A_90 : i32 to vector<16xi32>
      %select_n3A = arith.select %ge3A_89, %broadcast_in_dim3A, %broadcast_in_dim3A_91 : vector<16xi1>, vector<16xi32>
      %ge3A_92 = arith.cmpf oge, %gather3A_40, %gather3A_88 : vector<16xf32>
      %jit3A_93 = arith.constant 1025 : i32
      %jit3A_94 = arith.constant 1024 : i32
      %broadcast_in_dim3A_95 = vector.broadcast %jit3A_93 : i32 to vector<16xi32>
      %broadcast_in_dim3A_96 = vector.broadcast %jit3A_94 : i32 to vector<16xi32>
      %select_n3A_97 = arith.select %ge3A_92, %broadcast_in_dim3A_95, %broadcast_in_dim3A_96 : vector<16xi1>, vector<16xi32>
      %add3A_98 = arith.addi %add3A_79, %select_n3A : vector<16xi32>
      %add3A_99 = arith.addi %add3A_98, %select_n3A_97 : vector<16xi32>
      %gather3A_100 = tpu.vector_load_idx %arg4[%add3A_99] : memref<16384xf32, #tpu.memory_space<vmem>>[vector<16xi32>], vector<16xf32>,
      %add3A_101 = arith.addf %gather3A_80, %gather3A_100 : vector<16xf32>
      %add3A_102 = arith.constant 133 : i32
      %add3A_103 = vector.broadcast %add3A_102 : i32 to vector<16xi32>
      %add3A_104 = arith.addi %sub3A, %add3A_103 : vector<16xi32>
      %gather3A_105 = tpu.vector_load_idx %arg5[%add3A_104] : memref<1056xf32, #tpu.memory_space<vmem>>[vector<16xi32>], vector<16xf32>,
      %add3A_106 = arith.constant 166 : i32
      %add3A_107 = vector.broadcast %add3A_106 : i32 to vector<16xi32>
      %add3A_108 = arith.addi %sub3A_75, %add3A_107 : vector<16xi32>
      %gather3A_109 = tpu.vector_load_idx %arg5[%add3A_108] : memref<1056xf32, #tpu.memory_space<vmem>>[vector<16xi32>], vector<16xf32>,
      %ge3A_110 = arith.cmpf oge, %gather3A, %gather3A_105 : vector<16xf32>
      %jit3A_111 = arith.constant 32 : i32
      %jit3A_112 = arith.constant 0 : i32
      %broadcast_in_dim3A_113 = vector.broadcast %jit3A_111 : i32 to vector<16xi32>
      %broadcast_in_dim3A_114 = vector.broadcast %jit3A_112 : i32 to vector<16xi32>
      %select_n3A_115 = arith.select %ge3A_110, %broadcast_in_dim3A_113, %broadcast_in_dim3A_114 : vector<16xi1>, vector<16xi32>
      %ge3A_116 = arith.cmpf oge, %gather3A_40, %gather3A_109 : vector<16xf32>
      %jit3A_117 = arith.constant 2049 : i32
      %jit3A_118 = arith.constant 2048 : i32
      %broadcast_in_dim3A_119 = vector.broadcast %jit3A_117 : i32 to vector<16xi32>
      %broadcast_in_dim3A_120 = vector.broadcast %jit3A_118 : i32 to vector<16xi32>
      %select_n3A_121 = arith.select %ge3A_116, %broadcast_in_dim3A_119, %broadcast_in_dim3A_120 : vector<16xi1>, vector<16xi32>
      %add3A_122 = arith.addi %add3A_79, %select_n3A_115 : vector<16xi32>
      %add3A_123 = arith.addi %add3A_122, %select_n3A_121 : vector<16xi32>
      %gather3A_124 = tpu.vector_load_idx %arg4[%add3A_123] : memref<16384xf32, #tpu.memory_space<vmem>>[vector<16xi32>], vector<16xf32>,
      %add3A_125 = arith.addf %add3A_101, %gather3A_124 : vector<16xf32>
      %add3A_126 = arith.constant 199 : i32
      %add3A_127 = vector.broadcast %add3A_126 : i32 to vector<16xi32>
      %add3A_128 = arith.addi %sub3A, %add3A_127 : vector<16xi32>
      %gather3A_129 = tpu.vector_load_idx %arg5[%add3A_128] : memref<1056xf32, #tpu.memory_space<vmem>>[vector<16xi32>], vector<16xf32>,
      %add3A_130 = arith.constant 232 : i32
      %add3A_131 = vector.broadcast %add3A_130 : i32 to vector<16xi32>
      %add3A_132 = arith.addi %sub3A_75, %add3A_131 : vector<16xi32>
      %gather3A_133 = tpu.vector_load_idx %arg5[%add3A_132] : memref<1056xf32, #tpu.memory_space<vmem>>[vector<16xi32>], vector<16xf32>,
      %ge3A_134 = arith.cmpf oge, %gather3A, %gather3A_129 : vector<16xf32>
      %jit3A_135 = arith.constant 32 : i32
      %jit3A_136 = arith.constant 0 : i32
      %broadcast_in_dim3A_137 = vector.broadcast %jit3A_135 : i32 to vector<16xi32>
      %broadcast_in_dim3A_138 = vector.broadcast %jit3A_136 : i32 to vector<16xi32>
      %select_n3A_139 = arith.select %ge3A_134, %broadcast_in_dim3A_137, %broadcast_in_dim3A_138 : vector<16xi1>, vector<16xi32>
      %ge3A_140 = arith.cmpf oge, %gather3A_40, %gather3A_133 : vector<16xf32>
      %jit3A_141 = arith.constant 3073 : i32
      %jit3A_142 = arith.constant 3072 : i32
      %broadcast_in_dim3A_143 = vector.broadcast %jit3A_141 : i32 to vector<16xi32>
      %broadcast_in_dim3A_144 = vector.broadcast %jit3A_142 : i32 to vector<16xi32>
      %select_n3A_145 = arith.select %ge3A_140, %broadcast_in_dim3A_143, %broadcast_in_dim3A_144 : vector<16xi1>, vector<16xi32>
      %add3A_146 = arith.addi %add3A_79, %select_n3A_139 : vector<16xi32>
      %add3A_147 = arith.addi %add3A_146, %select_n3A_145 : vector<16xi32>
      %gather3A_148 = tpu.vector_load_idx %arg4[%add3A_147] : memref<16384xf32, #tpu.memory_space<vmem>>[vector<16xi32>], vector<16xf32>,
      %add3A_149 = arith.addf %add3A_125, %gather3A_148 : vector<16xf32>
      %add3A_150 = arith.constant 265 : i32
      %add3A_151 = vector.broadcast %add3A_150 : i32 to vector<16xi32>
      %add3A_152 = arith.addi %sub3A, %add3A_151 : vector<16xi32>
      %gather3A_153 = tpu.vector_load_idx %arg5[%add3A_152] : memref<1056xf32, #tpu.memory_space<vmem>>[vector<16xi32>], vector<16xf32>,
      %add3A_154 = arith.constant 298 : i32
      %add3A_155 = vector.broadcast %add3A_154 : i32 to vector<16xi32>
      %add3A_156 = arith.addi %sub3A_75, %add3A_155 : vector<16xi32>
      %gather3A_157 = tpu.vector_load_idx %arg5[%add3A_156] : memref<1056xf32, #tpu.memory_space<vmem>>[vector<16xi32>], vector<16xf32>,
      %ge3A_158 = arith.cmpf oge, %gather3A, %gather3A_153 : vector<16xf32>
      %jit3A_159 = arith.constant 32 : i32
      %jit3A_160 = arith.constant 0 : i32
      %broadcast_in_dim3A_161 = vector.broadcast %jit3A_159 : i32 to vector<16xi32>
      %broadcast_in_dim3A_162 = vector.broadcast %jit3A_160 : i32 to vector<16xi32>
      %select_n3A_163 = arith.select %ge3A_158, %broadcast_in_dim3A_161, %broadcast_in_dim3A_162 : vector<16xi1>, vector<16xi32>
      %ge3A_164 = arith.cmpf oge, %gather3A_40, %gather3A_157 : vector<16xf32>
      %jit3A_165 = arith.constant 4097 : i32
      %jit3A_166 = arith.constant 4096 : i32
      %broadcast_in_dim3A_167 = vector.broadcast %jit3A_165 : i32 to vector<16xi32>
      %broadcast_in_dim3A_168 = vector.broadcast %jit3A_166 : i32 to vector<16xi32>
      %select_n3A_169 = arith.select %ge3A_164, %broadcast_in_dim3A_167, %broadcast_in_dim3A_168 : vector<16xi1>, vector<16xi32>
      %add3A_170 = arith.addi %add3A_79, %select_n3A_163 : vector<16xi32>
      %add3A_171 = arith.addi %add3A_170, %select_n3A_169 : vector<16xi32>
      %gather3A_172 = tpu.vector_load_idx %arg4[%add3A_171] : memref<16384xf32, #tpu.memory_space<vmem>>[vector<16xi32>], vector<16xf32>,
      %add3A_173 = arith.addf %add3A_149, %gather3A_172 : vector<16xf32>
      %add3A_174 = arith.constant 331 : i32
      %add3A_175 = vector.broadcast %add3A_174 : i32 to vector<16xi32>
      %add3A_176 = arith.addi %sub3A, %add3A_175 : vector<16xi32>
      %gather3A_177 = tpu.vector_load_idx %arg5[%add3A_176] : memref<1056xf32, #tpu.memory_space<vmem>>[vector<16xi32>], vector<16xf32>,
      %add3A_178 = arith.constant 364 : i32
      %add3A_179 = vector.broadcast %add3A_178 : i32 to vector<16xi32>
      %add3A_180 = arith.addi %sub3A_75, %add3A_179 : vector<16xi32>
      %gather3A_181 = tpu.vector_load_idx %arg5[%add3A_180] : memref<1056xf32, #tpu.memory_space<vmem>>[vector<16xi32>], vector<16xf32>,
      %ge3A_182 = arith.cmpf oge, %gather3A, %gather3A_177 : vector<16xf32>
      %jit3A_183 = arith.constant 32 : i32
      %jit3A_184 = arith.constant 0 : i32
      %broadcast_in_dim3A_185 = vector.broadcast %jit3A_183 : i32 to vector<16xi32>
      %broadcast_in_dim3A_186 = vector.broadcast %jit3A_184 : i32 to vector<16xi32>
      %select_n3A_187 = arith.select %ge3A_182, %broadcast_in_dim3A_185, %broadcast_in_dim3A_186 : vector<16xi1>, vector<16xi32>
      %ge3A_188 = arith.cmpf oge, %gather3A_40, %gather3A_181 : vector<16xf32>
      %jit3A_189 = arith.constant 5121 : i32
      %jit3A_190 = arith.constant 5120 : i32
      %broadcast_in_dim3A_191 = vector.broadcast %jit3A_189 : i32 to vector<16xi32>
      %broadcast_in_dim3A_192 = vector.broadcast %jit3A_190 : i32 to vector<16xi32>
      %select_n3A_193 = arith.select %ge3A_188, %broadcast_in_dim3A_191, %broadcast_in_dim3A_192 : vector<16xi1>, vector<16xi32>
      %add3A_194 = arith.addi %add3A_79, %select_n3A_187 : vector<16xi32>
      %add3A_195 = arith.addi %add3A_194, %select_n3A_193 : vector<16xi32>
      %gather3A_196 = tpu.vector_load_idx %arg4[%add3A_195] : memref<16384xf32, #tpu.memory_space<vmem>>[vector<16xi32>], vector<16xf32>,
      %add3A_197 = arith.addf %add3A_173, %gather3A_196 : vector<16xf32>
      %add3A_198 = arith.constant 397 : i32
      %add3A_199 = vector.broadcast %add3A_198 : i32 to vector<16xi32>
      %add3A_200 = arith.addi %sub3A, %add3A_199 : vector<16xi32>
      %gather3A_201 = tpu.vector_load_idx %arg5[%add3A_200] : memref<1056xf32, #tpu.memory_space<vmem>>[vector<16xi32>], vector<16xf32>,
      %add3A_202 = arith.constant 430 : i32
      %add3A_203 = vector.broadcast %add3A_202 : i32 to vector<16xi32>
      %add3A_204 = arith.addi %sub3A_75, %add3A_203 : vector<16xi32>
      %gather3A_205 = tpu.vector_load_idx %arg5[%add3A_204] : memref<1056xf32, #tpu.memory_space<vmem>>[vector<16xi32>], vector<16xf32>,
      %ge3A_206 = arith.cmpf oge, %gather3A, %gather3A_201 : vector<16xf32>
      %jit3A_207 = arith.constant 32 : i32
      %jit3A_208 = arith.constant 0 : i32
      %broadcast_in_dim3A_209 = vector.broadcast %jit3A_207 : i32 to vector<16xi32>
      %broadcast_in_dim3A_210 = vector.broadcast %jit3A_208 : i32 to vector<16xi32>
      %select_n3A_211 = arith.select %ge3A_206, %broadcast_in_dim3A_209, %broadcast_in_dim3A_210 : vector<16xi1>, vector<16xi32>
      %ge3A_212 = arith.cmpf oge, %gather3A_40, %gather3A_205 : vector<16xf32>
      %jit3A_213 = arith.constant 6145 : i32
      %jit3A_214 = arith.constant 6144 : i32
      %broadcast_in_dim3A_215 = vector.broadcast %jit3A_213 : i32 to vector<16xi32>
      %broadcast_in_dim3A_216 = vector.broadcast %jit3A_214 : i32 to vector<16xi32>
      %select_n3A_217 = arith.select %ge3A_212, %broadcast_in_dim3A_215, %broadcast_in_dim3A_216 : vector<16xi1>, vector<16xi32>
      %add3A_218 = arith.addi %add3A_79, %select_n3A_211 : vector<16xi32>
      %add3A_219 = arith.addi %add3A_218, %select_n3A_217 : vector<16xi32>
      %gather3A_220 = tpu.vector_load_idx %arg4[%add3A_219] : memref<16384xf32, #tpu.memory_space<vmem>>[vector<16xi32>], vector<16xf32>,
      %add3A_221 = arith.addf %add3A_197, %gather3A_220 : vector<16xf32>
      %add3A_222 = arith.constant 463 : i32
      %add3A_223 = vector.broadcast %add3A_222 : i32 to vector<16xi32>
      %add3A_224 = arith.addi %sub3A, %add3A_223 : vector<16xi32>
      %gather3A_225 = tpu.vector_load_idx %arg5[%add3A_224] : memref<1056xf32, #tpu.memory_space<vmem>>[vector<16xi32>], vector<16xf32>,
      %add3A_226 = arith.constant 496 : i32
      %add3A_227 = vector.broadcast %add3A_226 : i32 to vector<16xi32>
      %add3A_228 = arith.addi %sub3A_75, %add3A_227 : vector<16xi32>
      %gather3A_229 = tpu.vector_load_idx %arg5[%add3A_228] : memref<1056xf32, #tpu.memory_space<vmem>>[vector<16xi32>], vector<16xf32>,
      %ge3A_230 = arith.cmpf oge, %gather3A, %gather3A_225 : vector<16xf32>
      %jit3A_231 = arith.constant 32 : i32
      %jit3A_232 = arith.constant 0 : i32
      %broadcast_in_dim3A_233 = vector.broadcast %jit3A_231 : i32 to vector<16xi32>
      %broadcast_in_dim3A_234 = vector.broadcast %jit3A_232 : i32 to vector<16xi32>
      %select_n3A_235 = arith.select %ge3A_230, %broadcast_in_dim3A_233, %broadcast_in_dim3A_234 : vector<16xi1>, vector<16xi32>
      %ge3A_236 = arith.cmpf oge, %gather3A_40, %gather3A_229 : vector<16xf32>
      %jit3A_237 = arith.constant 7169 : i32
      %jit3A_238 = arith.constant 7168 : i32
      %broadcast_in_dim3A_239 = vector.broadcast %jit3A_237 : i32 to vector<16xi32>
      %broadcast_in_dim3A_240 = vector.broadcast %jit3A_238 : i32 to vector<16xi32>
      %select_n3A_241 = arith.select %ge3A_236, %broadcast_in_dim3A_239, %broadcast_in_dim3A_240 : vector<16xi1>, vector<16xi32>
      %add3A_242 = arith.addi %add3A_79, %select_n3A_235 : vector<16xi32>
      %add3A_243 = arith.addi %add3A_242, %select_n3A_241 : vector<16xi32>
      %gather3A_244 = tpu.vector_load_idx %arg4[%add3A_243] : memref<16384xf32, #tpu.memory_space<vmem>>[vector<16xi32>], vector<16xf32>,
      %add3A_245 = arith.addf %add3A_221, %gather3A_244 : vector<16xf32>
      %add3A_246 = arith.constant 529 : i32
      %add3A_247 = vector.broadcast %add3A_246 : i32 to vector<16xi32>
      %add3A_248 = arith.addi %sub3A, %add3A_247 : vector<16xi32>
      %gather3A_249 = tpu.vector_load_idx %arg5[%add3A_248] : memref<1056xf32, #tpu.memory_space<vmem>>[vector<16xi32>], vector<16xf32>,
      %add3A_250 = arith.constant 562 : i32
      %add3A_251 = vector.broadcast %add3A_250 : i32 to vector<16xi32>
      %add3A_252 = arith.addi %sub3A_75, %add3A_251 : vector<16xi32>
      %gather3A_253 = tpu.vector_load_idx %arg5[%add3A_252] : memref<1056xf32, #tpu.memory_space<vmem>>[vector<16xi32>], vector<16xf32>,
      %ge3A_254 = arith.cmpf oge, %gather3A, %gather3A_249 : vector<16xf32>
      %jit3A_255 = arith.constant 32 : i32
      %jit3A_256 = arith.constant 0 : i32
      %broadcast_in_dim3A_257 = vector.broadcast %jit3A_255 : i32 to vector<16xi32>
      %broadcast_in_dim3A_258 = vector.broadcast %jit3A_256 : i32 to vector<16xi32>
      %select_n3A_259 = arith.select %ge3A_254, %broadcast_in_dim3A_257, %broadcast_in_dim3A_258 : vector<16xi1>, vector<16xi32>
      %ge3A_260 = arith.cmpf oge, %gather3A_40, %gather3A_253 : vector<16xf32>
      %jit3A_261 = arith.constant 8193 : i32
      %jit3A_262 = arith.constant 8192 : i32
      %broadcast_in_dim3A_263 = vector.broadcast %jit3A_261 : i32 to vector<16xi32>
      %broadcast_in_dim3A_264 = vector.broadcast %jit3A_262 : i32 to vector<16xi32>
      %select_n3A_265 = arith.select %ge3A_260, %broadcast_in_dim3A_263, %broadcast_in_dim3A_264 : vector<16xi1>, vector<16xi32>
      %add3A_266 = arith.addi %add3A_79, %select_n3A_259 : vector<16xi32>
      %add3A_267 = arith.addi %add3A_266, %select_n3A_265 : vector<16xi32>
      %gather3A_268 = tpu.vector_load_idx %arg4[%add3A_267] : memref<16384xf32, #tpu.memory_space<vmem>>[vector<16xi32>], vector<16xf32>,
      %add3A_269 = arith.addf %add3A_245, %gather3A_268 : vector<16xf32>
      %add3A_270 = arith.constant 595 : i32
      %add3A_271 = vector.broadcast %add3A_270 : i32 to vector<16xi32>
      %add3A_272 = arith.addi %sub3A, %add3A_271 : vector<16xi32>
      %gather3A_273 = tpu.vector_load_idx %arg5[%add3A_272] : memref<1056xf32, #tpu.memory_space<vmem>>[vector<16xi32>], vector<16xf32>,
      %add3A_274 = arith.constant 628 : i32
      %add3A_275 = vector.broadcast %add3A_274 : i32 to vector<16xi32>
      %add3A_276 = arith.addi %sub3A_75, %add3A_275 : vector<16xi32>
      %gather3A_277 = tpu.vector_load_idx %arg5[%add3A_276] : memref<1056xf32, #tpu.memory_space<vmem>>[vector<16xi32>], vector<16xf32>,
      %ge3A_278 = arith.cmpf oge, %gather3A, %gather3A_273 : vector<16xf32>
      %jit3A_279 = arith.constant 32 : i32
      %jit3A_280 = arith.constant 0 : i32
      %broadcast_in_dim3A_281 = vector.broadcast %jit3A_279 : i32 to vector<16xi32>
      %broadcast_in_dim3A_282 = vector.broadcast %jit3A_280 : i32 to vector<16xi32>
      %select_n3A_283 = arith.select %ge3A_278, %broadcast_in_dim3A_281, %broadcast_in_dim3A_282 : vector<16xi1>, vector<16xi32>
      %ge3A_284 = arith.cmpf oge, %gather3A_40, %gather3A_277 : vector<16xf32>
      %jit3A_285 = arith.constant 9217 : i32
      %jit3A_286 = arith.constant 9216 : i32
      %broadcast_in_dim3A_287 = vector.broadcast %jit3A_285 : i32 to vector<16xi32>
      %broadcast_in_dim3A_288 = vector.broadcast %jit3A_286 : i32 to vector<16xi32>
      %select_n3A_289 = arith.select %ge3A_284, %broadcast_in_dim3A_287, %broadcast_in_dim3A_288 : vector<16xi1>, vector<16xi32>
      %add3A_290 = arith.addi %add3A_79, %select_n3A_283 : vector<16xi32>
      %add3A_291 = arith.addi %add3A_290, %select_n3A_289 : vector<16xi32>
      %gather3A_292 = tpu.vector_load_idx %arg4[%add3A_291] : memref<16384xf32, #tpu.memory_space<vmem>>[vector<16xi32>], vector<16xf32>,
      %add3A_293 = arith.addf %add3A_269, %gather3A_292 : vector<16xf32>
      %add3A_294 = arith.constant 661 : i32
      %add3A_295 = vector.broadcast %add3A_294 : i32 to vector<16xi32>
      %add3A_296 = arith.addi %sub3A, %add3A_295 : vector<16xi32>
      %gather3A_297 = tpu.vector_load_idx %arg5[%add3A_296] : memref<1056xf32, #tpu.memory_space<vmem>>[vector<16xi32>], vector<16xf32>,
      %add3A_298 = arith.constant 694 : i32
      %add3A_299 = vector.broadcast %add3A_298 : i32 to vector<16xi32>
      %add3A_300 = arith.addi %sub3A_75, %add3A_299 : vector<16xi32>
      %gather3A_301 = tpu.vector_load_idx %arg5[%add3A_300] : memref<1056xf32, #tpu.memory_space<vmem>>[vector<16xi32>], vector<16xf32>,
      %ge3A_302 = arith.cmpf oge, %gather3A, %gather3A_297 : vector<16xf32>
      %jit3A_303 = arith.constant 32 : i32
      %jit3A_304 = arith.constant 0 : i32
      %broadcast_in_dim3A_305 = vector.broadcast %jit3A_303 : i32 to vector<16xi32>
      %broadcast_in_dim3A_306 = vector.broadcast %jit3A_304 : i32 to vector<16xi32>
      %select_n3A_307 = arith.select %ge3A_302, %broadcast_in_dim3A_305, %broadcast_in_dim3A_306 : vector<16xi1>, vector<16xi32>
      %ge3A_308 = arith.cmpf oge, %gather3A_40, %gather3A_301 : vector<16xf32>
      %jit3A_309 = arith.constant 10241 : i32
      %jit3A_310 = arith.constant 10240 : i32
      %broadcast_in_dim3A_311 = vector.broadcast %jit3A_309 : i32 to vector<16xi32>
      %broadcast_in_dim3A_312 = vector.broadcast %jit3A_310 : i32 to vector<16xi32>
      %select_n3A_313 = arith.select %ge3A_308, %broadcast_in_dim3A_311, %broadcast_in_dim3A_312 : vector<16xi1>, vector<16xi32>
      %add3A_314 = arith.addi %add3A_79, %select_n3A_307 : vector<16xi32>
      %add3A_315 = arith.addi %add3A_314, %select_n3A_313 : vector<16xi32>
      %gather3A_316 = tpu.vector_load_idx %arg4[%add3A_315] : memref<16384xf32, #tpu.memory_space<vmem>>[vector<16xi32>], vector<16xf32>,
      %add3A_317 = arith.addf %add3A_293, %gather3A_316 : vector<16xf32>
      %add3A_318 = arith.constant 727 : i32
      %add3A_319 = vector.broadcast %add3A_318 : i32 to vector<16xi32>
      %add3A_320 = arith.addi %sub3A, %add3A_319 : vector<16xi32>
      %gather3A_321 = tpu.vector_load_idx %arg5[%add3A_320] : memref<1056xf32, #tpu.memory_space<vmem>>[vector<16xi32>], vector<16xf32>,
      %add3A_322 = arith.constant 760 : i32
      %add3A_323 = vector.broadcast %add3A_322 : i32 to vector<16xi32>
      %add3A_324 = arith.addi %sub3A_75, %add3A_323 : vector<16xi32>
      %gather3A_325 = tpu.vector_load_idx %arg5[%add3A_324] : memref<1056xf32, #tpu.memory_space<vmem>>[vector<16xi32>], vector<16xf32>,
      %ge3A_326 = arith.cmpf oge, %gather3A, %gather3A_321 : vector<16xf32>
      %jit3A_327 = arith.constant 32 : i32
      %jit3A_328 = arith.constant 0 : i32
      %broadcast_in_dim3A_329 = vector.broadcast %jit3A_327 : i32 to vector<16xi32>
      %broadcast_in_dim3A_330 = vector.broadcast %jit3A_328 : i32 to vector<16xi32>
      %select_n3A_331 = arith.select %ge3A_326, %broadcast_in_dim3A_329, %broadcast_in_dim3A_330 : vector<16xi1>, vector<16xi32>
      %ge3A_332 = arith.cmpf oge, %gather3A_40, %gather3A_325 : vector<16xf32>
      %jit3A_333 = arith.constant 11265 : i32
      %jit3A_334 = arith.constant 11264 : i32
      %broadcast_in_dim3A_335 = vector.broadcast %jit3A_333 : i32 to vector<16xi32>
      %broadcast_in_dim3A_336 = vector.broadcast %jit3A_334 : i32 to vector<16xi32>
      %select_n3A_337 = arith.select %ge3A_332, %broadcast_in_dim3A_335, %broadcast_in_dim3A_336 : vector<16xi1>, vector<16xi32>
      %add3A_338 = arith.addi %add3A_79, %select_n3A_331 : vector<16xi32>
      %add3A_339 = arith.addi %add3A_338, %select_n3A_337 : vector<16xi32>
      %gather3A_340 = tpu.vector_load_idx %arg4[%add3A_339] : memref<16384xf32, #tpu.memory_space<vmem>>[vector<16xi32>], vector<16xf32>,
      %add3A_341 = arith.addf %add3A_317, %gather3A_340 : vector<16xf32>
      %add3A_342 = arith.constant 793 : i32
      %add3A_343 = vector.broadcast %add3A_342 : i32 to vector<16xi32>
      %add3A_344 = arith.addi %sub3A, %add3A_343 : vector<16xi32>
      %gather3A_345 = tpu.vector_load_idx %arg5[%add3A_344] : memref<1056xf32, #tpu.memory_space<vmem>>[vector<16xi32>], vector<16xf32>,
      %add3A_346 = arith.constant 826 : i32
      %add3A_347 = vector.broadcast %add3A_346 : i32 to vector<16xi32>
      %add3A_348 = arith.addi %sub3A_75, %add3A_347 : vector<16xi32>
      %gather3A_349 = tpu.vector_load_idx %arg5[%add3A_348] : memref<1056xf32, #tpu.memory_space<vmem>>[vector<16xi32>], vector<16xf32>,
      %ge3A_350 = arith.cmpf oge, %gather3A, %gather3A_345 : vector<16xf32>
      %jit3A_351 = arith.constant 32 : i32
      %jit3A_352 = arith.constant 0 : i32
      %broadcast_in_dim3A_353 = vector.broadcast %jit3A_351 : i32 to vector<16xi32>
      %broadcast_in_dim3A_354 = vector.broadcast %jit3A_352 : i32 to vector<16xi32>
      %select_n3A_355 = arith.select %ge3A_350, %broadcast_in_dim3A_353, %broadcast_in_dim3A_354 : vector<16xi1>, vector<16xi32>
      %ge3A_356 = arith.cmpf oge, %gather3A_40, %gather3A_349 : vector<16xf32>
      %jit3A_357 = arith.constant 12289 : i32
      %jit3A_358 = arith.constant 12288 : i32
      %broadcast_in_dim3A_359 = vector.broadcast %jit3A_357 : i32 to vector<16xi32>
      %broadcast_in_dim3A_360 = vector.broadcast %jit3A_358 : i32 to vector<16xi32>
      %select_n3A_361 = arith.select %ge3A_356, %broadcast_in_dim3A_359, %broadcast_in_dim3A_360 : vector<16xi1>, vector<16xi32>
      %add3A_362 = arith.addi %add3A_79, %select_n3A_355 : vector<16xi32>
      %add3A_363 = arith.addi %add3A_362, %select_n3A_361 : vector<16xi32>
      %gather3A_364 = tpu.vector_load_idx %arg4[%add3A_363] : memref<16384xf32, #tpu.memory_space<vmem>>[vector<16xi32>], vector<16xf32>,
      %add3A_365 = arith.addf %add3A_341, %gather3A_364 : vector<16xf32>
      %add3A_366 = arith.constant 859 : i32
      %add3A_367 = vector.broadcast %add3A_366 : i32 to vector<16xi32>
      %add3A_368 = arith.addi %sub3A, %add3A_367 : vector<16xi32>
      %gather3A_369 = tpu.vector_load_idx %arg5[%add3A_368] : memref<1056xf32, #tpu.memory_space<vmem>>[vector<16xi32>], vector<16xf32>,
      %add3A_370 = arith.constant 892 : i32
      %add3A_371 = vector.broadcast %add3A_370 : i32 to vector<16xi32>
      %add3A_372 = arith.addi %sub3A_75, %add3A_371 : vector<16xi32>
      %gather3A_373 = tpu.vector_load_idx %arg5[%add3A_372] : memref<1056xf32, #tpu.memory_space<vmem>>[vector<16xi32>], vector<16xf32>,
      %ge3A_374 = arith.cmpf oge, %gather3A, %gather3A_369 : vector<16xf32>
      %jit3A_375 = arith.constant 32 : i32
      %jit3A_376 = arith.constant 0 : i32
      %broadcast_in_dim3A_377 = vector.broadcast %jit3A_375 : i32 to vector<16xi32>
      %broadcast_in_dim3A_378 = vector.broadcast %jit3A_376 : i32 to vector<16xi32>
      %select_n3A_379 = arith.select %ge3A_374, %broadcast_in_dim3A_377, %broadcast_in_dim3A_378 : vector<16xi1>, vector<16xi32>
      %ge3A_380 = arith.cmpf oge, %gather3A_40, %gather3A_373 : vector<16xf32>
      %jit3A_381 = arith.constant 13313 : i32
      %jit3A_382 = arith.constant 13312 : i32
      %broadcast_in_dim3A_383 = vector.broadcast %jit3A_381 : i32 to vector<16xi32>
      %broadcast_in_dim3A_384 = vector.broadcast %jit3A_382 : i32 to vector<16xi32>
      %select_n3A_385 = arith.select %ge3A_380, %broadcast_in_dim3A_383, %broadcast_in_dim3A_384 : vector<16xi1>, vector<16xi32>
      %add3A_386 = arith.addi %add3A_79, %select_n3A_379 : vector<16xi32>
      %add3A_387 = arith.addi %add3A_386, %select_n3A_385 : vector<16xi32>
      %gather3A_388 = tpu.vector_load_idx %arg4[%add3A_387] : memref<16384xf32, #tpu.memory_space<vmem>>[vector<16xi32>], vector<16xf32>,
      %add3A_389 = arith.addf %add3A_365, %gather3A_388 : vector<16xf32>
      %add3A_390 = arith.constant 925 : i32
      %add3A_391 = vector.broadcast %add3A_390 : i32 to vector<16xi32>
      %add3A_392 = arith.addi %sub3A, %add3A_391 : vector<16xi32>
      %gather3A_393 = tpu.vector_load_idx %arg5[%add3A_392] : memref<1056xf32, #tpu.memory_space<vmem>>[vector<16xi32>], vector<16xf32>,
      %add3A_394 = arith.constant 958 : i32
      %add3A_395 = vector.broadcast %add3A_394 : i32 to vector<16xi32>
      %add3A_396 = arith.addi %sub3A_75, %add3A_395 : vector<16xi32>
      %gather3A_397 = tpu.vector_load_idx %arg5[%add3A_396] : memref<1056xf32, #tpu.memory_space<vmem>>[vector<16xi32>], vector<16xf32>,
      %ge3A_398 = arith.cmpf oge, %gather3A, %gather3A_393 : vector<16xf32>
      %jit3A_399 = arith.constant 32 : i32
      %jit3A_400 = arith.constant 0 : i32
      %broadcast_in_dim3A_401 = vector.broadcast %jit3A_399 : i32 to vector<16xi32>
      %broadcast_in_dim3A_402 = vector.broadcast %jit3A_400 : i32 to vector<16xi32>
      %select_n3A_403 = arith.select %ge3A_398, %broadcast_in_dim3A_401, %broadcast_in_dim3A_402 : vector<16xi1>, vector<16xi32>
      %ge3A_404 = arith.cmpf oge, %gather3A_40, %gather3A_397 : vector<16xf32>
      %jit3A_405 = arith.constant 14337 : i32
      %jit3A_406 = arith.constant 14336 : i32
      %broadcast_in_dim3A_407 = vector.broadcast %jit3A_405 : i32 to vector<16xi32>
      %broadcast_in_dim3A_408 = vector.broadcast %jit3A_406 : i32 to vector<16xi32>
      %select_n3A_409 = arith.select %ge3A_404, %broadcast_in_dim3A_407, %broadcast_in_dim3A_408 : vector<16xi1>, vector<16xi32>
      %add3A_410 = arith.addi %add3A_79, %select_n3A_403 : vector<16xi32>
      %add3A_411 = arith.addi %add3A_410, %select_n3A_409 : vector<16xi32>
      %gather3A_412 = tpu.vector_load_idx %arg4[%add3A_411] : memref<16384xf32, #tpu.memory_space<vmem>>[vector<16xi32>], vector<16xf32>,
      %add3A_413 = arith.addf %add3A_389, %gather3A_412 : vector<16xf32>
      %add3A_414 = arith.constant 991 : i32
      %add3A_415 = vector.broadcast %add3A_414 : i32 to vector<16xi32>
      %add3A_416 = arith.addi %sub3A, %add3A_415 : vector<16xi32>
      %gather3A_417 = tpu.vector_load_idx %arg5[%add3A_416] : memref<1056xf32, #tpu.memory_space<vmem>>[vector<16xi32>], vector<16xf32>,
      %add3A_418 = arith.constant 1024 : i32
      %add3A_419 = vector.broadcast %add3A_418 : i32 to vector<16xi32>
      %add3A_420 = arith.addi %sub3A_75, %add3A_419 : vector<16xi32>
      %gather3A_421 = tpu.vector_load_idx %arg5[%add3A_420] : memref<1056xf32, #tpu.memory_space<vmem>>[vector<16xi32>], vector<16xf32>,
      %ge3A_422 = arith.cmpf oge, %gather3A, %gather3A_417 : vector<16xf32>
      %jit3A_423 = arith.constant 32 : i32
      %jit3A_424 = arith.constant 0 : i32
      %broadcast_in_dim3A_425 = vector.broadcast %jit3A_423 : i32 to vector<16xi32>
      %broadcast_in_dim3A_426 = vector.broadcast %jit3A_424 : i32 to vector<16xi32>
      %select_n3A_427 = arith.select %ge3A_422, %broadcast_in_dim3A_425, %broadcast_in_dim3A_426 : vector<16xi1>, vector<16xi32>
      %ge3A_428 = arith.cmpf oge, %gather3A_40, %gather3A_421 : vector<16xf32>
      %jit3A_429 = arith.constant 15361 : i32
      %jit3A_430 = arith.constant 15360 : i32
      %broadcast_in_dim3A_431 = vector.broadcast %jit3A_429 : i32 to vector<16xi32>
      %broadcast_in_dim3A_432 = vector.broadcast %jit3A_430 : i32 to vector<16xi32>
      %select_n3A_433 = arith.select %ge3A_428, %broadcast_in_dim3A_431, %broadcast_in_dim3A_432 : vector<16xi1>, vector<16xi32>
      %add3A_434 = arith.addi %add3A_79, %select_n3A_427 : vector<16xi32>
      %add3A_435 = arith.addi %add3A_434, %select_n3A_433 : vector<16xi32>
      %gather3A_436 = tpu.vector_load_idx %arg4[%add3A_435] : memref<16384xf32, #tpu.memory_space<vmem>>[vector<16xi32>], vector<16xf32>,
      %add3A_437 = arith.addf %add3A_413, %gather3A_436 : vector<16xf32>
      tpu.vector_store_idx %arg8[%add3A_39], %add3A_437 : memref<128xf32, #tpu.memory_space<vmem>>[vector<16xi32>], vector<16xf32>,
    }
    %scan3A_34 = arith.constant 8 : i32
    "tpu.region"() ({
      %run_scoped3A = tpu.sem_alloc : memref<!tpu.dma_semaphore, #tpu.memory_space<semaphore_mem>>
      %dma_start3A_35 = tpu.memref_slice %arg3[%mul3A_2] : memref<4096xf32, #tpu.memory_space<hbm>> -> memref<128xf32, #tpu.memory_space<hbm>>
      %dma_start3A_36 = tpu.memref_slice %arg3[%mul3A_2] : memref<4096xf32, #tpu.memory_space<hbm>> -> memref<128xf32, #tpu.memory_space<hbm>>
      tpu.enqueue_dma source(%arg8 : memref<128xf32, #tpu.memory_space<vmem>>) target(%dma_start3A_36 : memref<128xf32, #tpu.memory_space<hbm>>) target_semaphore(%run_scoped3A : memref<!tpu.dma_semaphore, #tpu.memory_space<semaphore_mem>>)
      %dma_wait3A_37 = tpu.memref_slice %arg3[%mul3A_2] : memref<4096xf32, #tpu.memory_space<hbm>> -> memref<128xf32, #tpu.memory_space<hbm>>
      %dma_wait3A_38 = tpu.memref_slice %arg3[%mul3A_2] : memref<4096xf32, #tpu.memory_space<hbm>> -> memref<128xf32, #tpu.memory_space<hbm>>
      tpu.wait_dma2 semaphore(%run_scoped3A : memref<!tpu.dma_semaphore, #tpu.memory_space<semaphore_mem>>) src(%arg8 : memref<128xf32, #tpu.memory_space<vmem>>) dst(%dma_wait3A_38 : memref<128xf32, #tpu.memory_space<hbm>>)
      tpu.yield
    }) : () -> ()
    return
  }
}

</mosaic_0001>

<sc_bundles>
// kernel: kernel.3.cloned.1.call-start
scs
__scs_entry_jumppad:
0x0: {  	(pc) =	sbr.rel $0x88, $3  }
0x1: {  	(tag) =	ssettag $0x0;
	lr =	simm.s32 $0x1  }
0x2: {  	[smem:$0x3F9E] =	sst lr;
	_ =	strace $0xD0000000  }
0x3: {  	_ = 	snop  }
0x4: {  	_ = 	snop  }
0x5: {  	_ = 	snop  }
0x6: {  	_ = 	snop  }
0x7: {  	_ = 	snop  }
__scs_overlays_trampoline_lowered:
0x8: {  	[smem:$0x3FAD] =	sst s0  }
0x9: {  	[smem:$0x3FAE] =	sst s1  }
0xa: {  	[smem:$0x3FAF] =	sst s2  }
0xb: {  	[smem:$0x3FB0] =	sst s3  }
0xc: {  	[smem:$0x3FB1] =	sst s4  }
0xd: {  	[smem:$0x3FB2] =	sst s5  }
0xe: {  	[smem:$0x3FB3] =	sst s6  }
0xf: {  	[smem:$0x3FB4] =	sst s7  }
0x10: {  	[smem:$0x3FB5] =	sst s8  }
0x11: {  	[smem:$0x3FB6] =	sst s9;
	s0 =	simm.s32 @!p0 $0x0  }
0x12: {  	s1 =	sld [smem:$0x3F9C];
	s0 =	simm.s32 @p0 $0x1  }
0x13: {  	[smem:$0x3FB7] =	sst s0;
	s0 =	simm.s32 @!p1 $0x0  }
0x14: {  	s2 =	sld [smem:$0x3F9B];
	s0 =	simm.s32 @p1 $0x1  }
0x15: {  	[smem:$0x3FB8] =	sst s0;
	s0 =	simm.s32 @!p2 $0x0  }
0x16: {  	s3 =	sld [smem:$0x3FDB];
	s0 =	simm.s32 @p2 $0x1  }
0x17: {  	s4 =	simm.s32 $0x1BF5;
	[smem:$0x3FBA] =	sst s0  }
0x18: {  	s0 =	sld [smem:$0x3F9D];
	_ =	swait.ge [sflag:s4], $0x0  }
0x19: {  	s7 =	sld [smem:$0x3F9E]  }
0x1a: {  	s8 =	sadd.s32 $0xFFFFE003, lr  }
0x1b: {  	s9 =	sadd.s32 $0xFFFFFEF7, lr;
	s5 =	simm.s32 $0xFFFFFFFF;
	p2 =	slt.u32 s8, $0xFFFFF086  }
0x1c: {  	p1 =	slt.u32 s9, $0xF7A;
	s5 =	simm.s32 @!p2 $0x0  }
0x1d: {  	s5 =	simm.s32 @p1 $0x1;
	p0 =	seq.s32 s7, s2  }
0x1e: {  	s7 =	smul.u32 @!p0 $0xF7A, s2;
	p2 =	seq.s32 @!p0 s5, $0x0  }
0x1f: {  	s9 =	smul.u32 $0xF7A, s1;
	s8 =	simm.s32 @!p0 $0x1BF5;
	p2 =	por !p2, p0  }
0x20: {  	[sflag:s8] =	ssyncset.s32 @!p0 $0xFFFFF086;
	s6 =	sadd.s32 @!p0 s3, s7;
	s7 =	simm.s32 @!p0 $0x108  }
0x21: {  	s3 =	sadd.s32 s3, s9;
	s6 =	sadd.s32 @!p0 $0x88, s6;
	s7 =	simm.s32 @p2 $0x1082  }
0x22: {  	[simem:s7], [sflag:s8] =	dma.local @!p0 [hbm:s6], $0xF7A  }
0x23: {  	s9 =	sor.u32 $0xD0000000, s2;
	s6 =	simm.s32 $0x108;
	_ =	swait.ge @!p0 [sflag:s8], $0x0  }
0x24: {  	s3 =	sadd.s32 $0x88, s3;
	s6 =	simm.s32 @!p1 $0x1082;
	[sflag:s4] =	ssyncset.s32 $0xFFFFF086  }
0x25: {  	[simem:s6], [sflag:s4] =	dma.local [hbm:s3], $0xF7A  }
0x26: {  	[smem:$0x3F9E] =	sst s1;
	(tag) =	ssettag s2;
	_ =	strace s9  }
0x27: {  	s1 =	sld [smem:$0x3FAE]  }
0x28: {  	s2 =	sld [smem:$0x3FAF]  }
0x29: {  	s4 =	sld [smem:$0x3FB1]  }
0x2a: {  	p0 =	seq.s32 s5, $0x0;
	s5 =	sld [smem:$0x3FB2]  }
0x2b: {  	s6 =	sld [smem:$0x3FB3]  }
0x2c: {  	s7 =	sld [smem:$0x3FB4]  }
0x2d: {  	s3 =	simm.s32 $0x108;
	s8 =	sld [smem:$0x3FB5]  }
0x2e: {  	s3 =	simm.s32 @!p0 $0x1082;
	s9 =	sld [smem:$0x3FB6]  }
0x2f: {  	lr =	sadd.s32 s0, s3;
	s0 =	sld [smem:$0x3FAD]  }
0x30: {  	s3 =	sld [smem:$0x3FB0]  }
0x31: {  	[smem:$0x3FB9] =	sst s10  }
0x32: {  	s10 =	sld [smem:$0x3FB7];
	_ =	sdelay $0x3  }
0x33: {  	p0 =	seq.s32 s10, $0x1;
	s10 =	sld [smem:$0x3FB9];
	_ =	sdelay $0x3  }
0x34: {  	[smem:$0x3FB9] =	sst s10  }
0x35: {  	s10 =	sld [smem:$0x3FB8];
	_ =	sdelay $0x3  }
0x36: {  	p1 =	seq.s32 s10, $0x1;
	s10 =	sld [smem:$0x3FB9];
	_ =	sdelay $0x3  }
0x37: {  	[smem:$0x3FB9] =	sst s10  }
0x38: {  	s10 =	sld [smem:$0x3FBA]  }
0x39: {  	_ = 	snop;
	(pc) =	sbr.ind lr, $3  }
0x3a: {  	_ = 	snop  }
0x3b: {  	_ = 	snop  }
0x3c: {  	p2 =	seq.s32 s10, $0x1;
	s10 =	sld [smem:$0x3FB9]  }
0x3d: {  	_ =	shalt  }
0x3e: {  	_ =	shalt  }
0x3f: {  	_ =	shalt  }
0x40: {  	_ =	shalt  }
0x41: {  	_ =	shalt  }
0x42: {  	_ =	shalt  }
0x43: {  	_ =	shalt  }
0x44: {  	_ =	shalt  }
0x45: {  	_ =	shalt  }
0x46: {  	_ =	shalt  }
0x47: {  	_ =	shalt  }
0x48: {  	_ =	shalt  }
0x49: {  	_ =	shalt  }
0x4a: {  	_ =	shalt  }
0x4b: {  	_ =	shalt  }
0x4c: {  	_ =	shalt  }
0x4d: {  	_ =	shalt  }
0x4e: {  	_ =	shalt  }
0x4f: {  	_ =	shalt  }
0x50: {  	_ =	shalt  }
0x51: {  	_ =	shalt  }
0x52: {  	_ =	shalt  }
0x53: {  	_ =	shalt  }
0x54: {  	_ =	shalt  }
0x55: {  	_ =	shalt  }
0x56: {  	_ =	shalt  }
0x57: {  	_ =	shalt  }
0x58: {  	_ =	shalt  }
0x59: {  	_ =	shalt  }
0x5a: {  	_ =	shalt  }
0x5b: {  	_ =	shalt  }
0x5c: {  	_ =	shalt  }
0x5d: {  	_ =	shalt  }
0x5e: {  	_ =	shalt  }
0x5f: {  	_ =	shalt  }
0x60: {  	_ =	shalt  }
0x61: {  	_ =	shalt  }
0x62: {  	_ =	shalt  }
0x63: {  	_ =	shalt  }
0x64: {  	_ =	shalt  }
0x65: {  	_ =	shalt  }
0x66: {  	_ =	shalt  }
0x67: {  	_ =	shalt  }
0x68: {  	_ =	shalt  }
0x69: {  	_ =	shalt  }
0x6a: {  	_ =	shalt  }
0x6b: {  	_ =	shalt  }
0x6c: {  	_ =	shalt  }
0x6d: {  	_ =	shalt  }
0x6e: {  	_ =	shalt  }
0x6f: {  	_ =	shalt  }
0x70: {  	_ =	shalt  }
0x71: {  	_ =	shalt  }
0x72: {  	_ =	shalt  }
0x73: {  	_ =	shalt  }
0x74: {  	_ =	shalt  }
0x75: {  	_ =	shalt  }
0x76: {  	_ =	shalt  }
0x77: {  	_ =	shalt  }
0x78: {  	_ =	shalt  }
0x79: {  	_ =	shalt  }
0x7a: {  	_ =	shalt  }
0x7b: {  	_ =	shalt  }
0x7c: {  	_ =	shalt  }
0x7d: {  	_ =	shalt  }
0x7e: {  	_ =	shalt  }
0x7f: {  	_ =	shalt  }
0x80: {  	_ =	shalt  }
0x81: {  	_ =	shalt  }
0x82: {  	_ =	shalt  }
0x83: {  	_ =	shalt  }
0x84: {  	_ =	shalt  }
0x85: {  	_ =	shalt  }
0x86: {  	_ =	shalt  }
0x87: {  	_ =	shalt  }
.Lfunc_end0:
.L_simem_size_0:
called_computation_lowered:
.L_overlay_start_0:
0x88: {  	s2 =	sld [smem:$0x3FD9]  }
0x89: {  	s3 =	sld [smem:$0x3FFE];
	_ =	sdelay $0x1  }
0x8a: {  	s1 =	srdreg.scid  }
0x8b: {  	s0 =	sand.u32 $0x1, s1  }
0x8c: {  	s17 =	sshll.u32 s0, $0xA;
	s2 =	sadd.s32 s3, s2  }
0x8d: {  	s2 =	sadd.s32 s2, s17  }
0x8e: {  	[smem:$0x3FC5] =	sst s2  }
0x8f: {  	_ = 	snop  }
0x90: {  	s2 =	sld [smem:$0x3FD0];
	(tm) =	ssettm $0x1  }
0x91: {  	s18 =	sld [smem:$0x3FFB];
	_ =	sdelay $0x3  }
0x92: {  	_ =	strace s18  }
0x93: {  	s3 =	sld [smem:$0x3FFC];
	_ =	sdelay $0x3  }
0x94: {  	_ =	strace s3  }
0x95: {  	s3 =	sld [smem:$0x3FFD];
	_ =	sdelay $0x3  }
0x96: {  	_ =	strace s3  }
0x97: {  	_ =	strace $0x8FFFFFFF  }
0x98: {  	s19 =	sld [smem:$0x3FDB];
	_ =	sdelay $0x1  }
0x99: {  	s4 =	simm.s32 $_scs_section_size  }
0x9a: {  	s5 =	simm.s32 $_size__tile_overlayer_lowered;
	s6 =	simm.s32 $_tile_overlayer_lowered  }
0x9b: {  	s22 =	simm.s32 $0x1BFF;
	s21 =	sshll.u32 s6, $0x1;
	s3 =	sadd.s32 s4, s19  }
0x9c: {  	s7 =	simm.s32 $0x0;
	s20 =	sshll.u32 s5, $0x1;
	s5 =	sadd.s32 s21, s3  }
0x9d: {  	[timem:s7], [sflag:s22] =	dma.local [hbm:s5], s20  }
0x9e: {  	_ =	swait.ge [sflag:s22], s20  }
0x9f: {  	s4 =	ssub.s32 $0x0, s20;
	[sflag:s22] =	ssyncset.done $0x0  }
0xa0: {  	[sflag:s22] =	ssyncadd.s32 s4;
	_ =	sdelay $0x1  }
0xa1: {  	s23 =	simm.s32 $0x1B8B  }
0xa2: {  	_ =	swait.ge [sflag:s23], $0x1  }
0xa3: {  	[sflag:s23] =	ssyncset.done $0x0  }
0xa4: {  	s25 =	simm.s32 $0x1B8E;
	s24 =	sld [smem:$0x3FFE];
	[sflag:s23] =	ssyncadd.s32 $0xFFFFFFFF  }
0xa5: {  	s26 =	simm.s32 $execute0_lowered;
	[smem:$0x3FD2] =	sst s25  }
0xa6: {  	s5 =	sshll.u32 s26, $0x1;
	_ =	strace $0x80000046;
	[dreg:$0x1] =	wrdreg $0xFFFFFFFF  }
0xa7: {  	s28 =	simm.s32 $_size_execute0_lowered;
	s3 =	sadd.s32 s3, s5;
	[dreg:$0x0] =	wrdreg $0x0  }
0xa8: {  	s5 =	sshll.u32 s28, $0x1;
	[dreg:$0x2] =	wrdreg s3  }
0xa9: {  	[dreg:$0x3] =	wrdreg s5  }
0xaa: {  	[dreg:$0x4] =	wrdreg $0xC0  }
0xab: {  	_ =	task [dreg:s7], $0x5FFFF  }
0xac: {  	[dreg:$0x1] =	wrdreg $0xFFFFFFFF  }
0xad: {  	[dreg:$0x0] =	wrdreg $0x60  }
0xae: {  	[dreg:$0x2] =	wrdreg s24  }
0xaf: {  	[dreg:$0x3] =	wrdreg s2  }
0xb0: {  	[dreg:$0x4] =	wrdreg $0x9  }
0xb1: {  	_ =	task.clear_ibuf [dreg:s7], $0x5FFFF;
	_ =	strace $0x90000046  }
0xb2: {  	s29 =	simm.s32 $0x9;
	_ =	strace $0x80000048  }
0xb3: {  	_ =	swait.ge [sflag:s29], $0x1  }
0xb4: {  	[sflag:s29] =	ssyncadd.s32 $0xFFFFFFFF  }
0xb5: {  	_ =	strace $0x90000048  }
0xb6: {  	_ =	sfence  }
0xb7: {  	s30 =	sld [smem:$0x0];
	_ =	sdelay $0x2  }
0xb8: {  	s31 =	sshll.u32 s1, $0xD;
	s1 =	sshrl.u32 s1, $0x2  }
0xb9: {  	s3 =	sand.u32 $0x4000, s31;
	s1 =	sadd.s32 s1, s30  }
0xba: {  	s0 =	sor.u32 s3, s0;
	s1 =	sshll.u32 s1, $0x11  }
0xbb: {  	s0 =	sor.u32 s1, s0  }
0xbc: {  	s0 =	sadd.s32 $0x8F2B, s0  }
0xbd: {  	[sflag:s0] =	ssyncadd.remote.s32 $0x1  }
0xbe: {  	_ =	sfence.sel $0xFFFF  }
0xbf: {  	[dreg:$0x0] =	wrdreg $0xFFFFFFFF;
	(pc) =	sbr.abs _section_cstart, $3  }
0xc0: {  	[dreg:$0x1] =	wrdreg $0xFFFFFFFF  }
0xc1: {  	_ =	task.clear_ibuf [dreg:s7], $0x2FFFF;
	_ =	strace $0x9FFFFFFF  }
0xc2: {  	(tm) =	ssettm $0x7FFFFFFF  }
0xc3: {  	_ =	shalt  }
tec
execute0_lowered:
.L_overlay_start_1:
0x0: {  	(tag) =	ssettag $0x1  }
0x1: {  	s4 =	rddreg [dreg:$0x0]  }
0x2: {  	s7 =	rddreg [dreg:$0x1];
	s2 =	srdreg.scid  }
0x3: {  	s0 =	rddreg [dreg:$0x2];
	s1 =	stileid.u32;
	s10 =	simm.s32 $0x4480  }
0x4: {  	s11 =	simm.s32 $0x4500;
	s12 =	simm.s32 $0x3;
	s13 =	simm.s32 $0x4  }
0x5: {  	s14 =	simm.s32 $0x2;
	s15 =	simm.s32 $0x1;
	s16 =	simm.s32 $0x4580  }
0x6: {  	s17 =	simm.s32 $0x5;
	s18 =	simm.s32 $0x0;
	s3 =	sand.u32 $0x1, s2  }
0x7: {  	v0 =	vlaneseq.u32;
	v1 =	vimm.s32 $0x0;
	s2 =	simm.s32 $0x0;
	s5 =	sshll.u32 s1, $0x8;
	s6 =	sshll.u32 s3, $0x7  }
0x8: {  	v2 =	vimm.s32 $0x400;
	v3 =	vimm.s32 $0x800;
	v4 =	vimm.s32 $0xC00;
	[smem:$0x7FF] =	sst s2;
	s8 =	ssub.s32 $0x2, s3;
	s3 =	sadd.s32 $0x600, s4  }
0x9: {  	v5 =	vimm.s32 $0x1000;
	v6 =	vimm.s32 $0x1400;
	v7 =	vimm.s32 $0x1800;
	s4 =	sadd.s32 $0xE00, s4;
	s5 =	sor.u32 s6, s5;
	s30 =	sshrl.u32 s8, $0x1  }
0xa: {  	v8 =	vimm.s32 $0x1C00;
	v9 =	vimm.s32 $0x2000;
	v10 =	vimm.s32 $0x2400;
	_ =	strace $0x80000047;
	s9 =	sshrl.u32 s5, $0x3;
	s8 =	ssub.s32 s8, s30  }
0xb: {  	v11 =	vimm.s32 $0x2800;
	v12 =	vimm.s32 $0x2C00;
	v13 =	vimm.s32 $0x3000;
	s31 =	sadd.s32 s3, s9;
	s7 =	sadd.s32 s7, s9;
	s8 =	smax.u32 s8, $0x1  }
0xc: {  	v14 =	vimm.s32 $0x3400;
	v15 =	vimm.s32 $0x3800;
	v16 =	vimm.s32 $0x3C00;
	s9 =	simm.s32 $0x4000;
	s5 =	sadd.s32 $0x884, s31;
	s6 =	sadd.s32 $0xA84, s31  }
.LBB2_1:
0xd: {  	[tilespmem:s2], [sflag:$0x1] =	stream.linear.gather [hbm4b:s3+s2], $0x4000, $0x38;
	[tilespmem:$0x4600] =	vst v63  }
0xe: {  	_ = 	snop  }
0xf: {  	[tilespmem:s9], [sflag:$0x2] =	stream.linear.gather [hbm4b:s4+s2], $0x420, $0x38;
	[tilespmem:$0x4600] =	vst v63  }
0x10: {  	_ = 	snop  }
0x11: {  	[tilespmem:s10], [sflag:$0x3] =	stream.linear.gather [hbm4b:s5+s2], $0x80, $0x38;
	[tilespmem:$0x4600] =	vst v63  }
0x12: {  	_ = 	snop  }
0x13: {  	[tilespmem:s11], [sflag:$0x4] =	stream.linear.gather [hbm4b:s6+s2], $0x80, $0x38;
	[tilespmem:$0x4600] =	vst v63  }
0x14: {  	_ =	swait.ge [sflag:s12], $0x80  }
0x15: {  	[sflag:s12] =	ssyncset.done $0x0  }
0x16: {  	[sflag:s12] =	ssyncadd.s32 $0xFFFFFF80  }
0x17: {  	_ =	swait.ge [sflag:s13], $0x80  }
0x18: {  	[sflag:s13] =	ssyncset.done $0x0  }
0x19: {  	[sflag:s13] =	ssyncadd.s32 $0xFFFFFF80  }
0x1a: {  	_ =	swait.ge [sflag:s14], $0x420  }
0x1b: {  	[sflag:s14] =	ssyncset.done $0x0  }
0x1c: {  	[sflag:s14] =	ssyncadd.s32 $0xFFFFFBE0  }
0x1d: {  	_ =	swait.ge [sflag:s15], $0x4000  }
0x1e: {  	[sflag:s15] =	ssyncset.done $0x0  }
0x1f: {  	s19 =	simm.s32 $0x0;
	[sflag:s15] =	ssyncadd.s32 $0xFFFFC000  }
.LBB2_2:
0x20: {  	v17 =	vor.u32 s19, v0;
	_ =	sdelay $0x4  }
0x21: {  	v19 =	vld.idx.msk [tilespmem:v17+s10+$0x0], $0xffff;
	_ =	sdelay $0x2  }
0x22: {  	v18 =	vld.idx.msk [tilespmem:v17+s11+$0x0], $0xffff;
	_ =	sdelay $0x1  }
0x23: {  	v20 =	vmul.f32 $3.106250000e+01, v19;
	_ =	sdelay $0x1  }
0x24: {  	v20 =	vtrunc.f32 v20  }
0x25: {  	v21 =	vmul.f32 $3.106250000e+01, v18;
	v20 =	vcvt.f32.s32 v20;
	_ =	sdelay $0x1  }
0x26: {  	v21 =	vtrunc.f32 v21;
	vm0 =	vlt.s32 v20, $0x1F  }
0x27: {  	v21 =	vcvt.f32.s32 v21;
	v20 =	vnsel vm0, $0x1F, v20  }
0x28: {  	v22 =	vadd.s32 $0x1, v20  }
0x29: {  	vm6 =	vlt.s32 v21, $0x1F  }
0x2a: {  	v21 =	vnsel vm6, $0x1F, v21  }
0x2b: {  	v23 =	vadd.s32 $0x21, v21  }
0x2c: {  	v24 =	vadd.s32 $0x22, v21;
	v25 =	vld.idx.msk [tilespmem:v20+s9+$0x0], $0xffff  }
0x2d: {  	v22 =	vld.idx.msk [tilespmem:v22+s9+$0x0], $0xffff;
	_ =	sdelay $0x2  }
0x2e: {  	v23 =	vld.idx.msk [tilespmem:v23+s9+$0x0], $0xffff  }
0x2f: {  	v24 =	vld.idx.msk [tilespmem:v24+s9+$0x0], $0xffff;
	vm1 =	vlt.f32 v19, v25  }
0x30: {  	vm7 =	vge.f32 v19, v22;
	v25 =	vsel vm1, $0xFFFFFFFF, v1  }
0x31: {  	v22 =	vsel vm7, $0x1, v1;
	v20 =	vadd.s32 v25, v20  }
0x32: {  	v22 =	vadd.s32 v22, v20  }
0x33: {  	vm8 =	vlt.f32 v18, v23;
	v49 =	vadd.s32 $0x43, v22  }
0x34: {  	vm9 =	vge.f32 v18, v24;
	v23 =	vsel vm8, $0xFFFFFFFF, v1;
	v53 =	vadd.s32 $0x85, v22  }
0x35: {  	v48 =	vsel vm9, $0x1, v1;
	v21 =	vadd.s32 v23, v21;
	v56 =	vadd.s32 $0x109, v22  }
0x36: {  	v21 =	vadd.s32 v48, v21;
	v31 =	vadd.s32 $0x14B, v22  }
0x37: {  	v50 =	vadd.s32 $0x64, v21  }
0x38: {  	v33 =	vadd.s32 $0x18D, v22;
	v51 =	vld.idx.msk [tilespmem:v49+s9+$0x0], $0xffff  }
0x39: {  	v37 =	vadd.s32 $0x211, v22;
	v25 =	vld.idx.msk [tilespmem:v53+s9+$0x0], $0xffff  }
0x3a: {  	v54 =	vadd.s32 $0xA6, v21;
	v57 =	vld.idx.msk [tilespmem:v56+s9+$0x0], $0xffff  }
0x3b: {  	v28 =	vadd.s32 $0xE8, v21;
	v61 =	vld.idx.msk [tilespmem:v31+s9+$0x0], $0xffff  }
0x3c: {  	v55 =	vadd.s32 $0xC7, v22;
	v23 =	vld.idx.msk [tilespmem:v50+s9+$0x0], $0xffff  }
0x3d: {  	v62 =	vadd.s32 $0x1F0, v21;
	v33 =	vld.idx.msk [tilespmem:v33+s9+$0x0], $0xffff  }
0x3e: {  	v46 =	vld.idx.msk [tilespmem:v37+s9+$0x0], $0xffff  }
0x3f: {  	v52 =	vshll.u32 v22, $0x5;
	v60 =	vadd.s32 $0x1CF, v22;
	v30 =	vadd.s32 $0x12A, v21;
	v24 =	vld.idx.msk [tilespmem:v54+s9+$0x0], $0xffff  }
0x40: {  	v20 =	vadd.s32 v52, v21;
	v32 =	vadd.s32 $0x16C, v21;
	v58 =	vadd.s32 $0x1AE, v21;
	v28 =	vld.idx.msk [tilespmem:v28+s9+$0x0], $0xffff  }
0x41: {  	v39 =	vadd.s32 $0x232, v21;
	v37 =	vadd.s32 $0x319, v22;
	vm11 =	vge.f32 v18, v23;
	v23 =	vld.idx.msk [tilespmem:v55+s9+$0x0], $0xffff  }
0x42: {  	v42 =	vld.idx.msk [tilespmem:v62+s9+$0x0], $0xffff;
	v62 =	vadd.s32 $0x2D7, v22;
	vm10 =	vge.f32 v19, v51;
	vm12 =	vge.f32 v19, v25  }
0x43: {  	vm4 =	vge.f32 v19, v57;
	vm6 =	vge.f32 v19, v61;
	v26 =	vsel vm10, $0x20, v1  }
0x44: {  	v59 =	vld.idx.msk [tilespmem:v30+s9+$0x0], $0xffff;
	vm8 =	vge.f32 v19, v33;
	v27 =	vsel vm11, $0x401, v2;
	v26 =	vadd.s32 v26, v20  }
0x45: {  	v34 =	vsel vm12, $0x20, v1;
	vm13 =	vge.f32 v18, v24;
	v26 =	vadd.s32 v27, v26  }
0x46: {  	v32 =	vld.idx.msk [tilespmem:v32+s9+$0x0], $0xffff;
	v35 =	vsel vm13, $0x801, v3;
	v34 =	vadd.s32 v20, v34;
	vm14 =	vge.f32 v19, v23  }
0x47: {  	v38 =	vld.idx.msk [tilespmem:v60+s9+$0x0], $0xffff;
	vm15 =	vge.f32 v18, v28;
	v34 =	vadd.s32 v35, v34;
	v63 =	vsel vm14, $0x20, v1  }
0x48: {  	v57 =	vadd.s32 $0x274, v21;
	v36 =	vsel vm15, $0xC01, v4;
	v27 =	vld.idx.msk [tilespmem:v58+s9+$0x0], $0xffff;
	v28 =	vadd.s32 v20, v63  }
0x49: {  	v29 =	vld.idx.msk [tilespmem:v20+s2+$0x0], $0xffff;
	vm5 =	vge.f32 v18, v59;
	v40 =	vsel vm4, $0x20, v1;
	v28 =	vadd.s32 v36, v28  }
0x4a: {  	v43 =	vsel vm6, $0x20, v1;
	v41 =	vsel vm5, $0x1001, v5;
	v30 =	vadd.s32 v20, v40;
	v26 =	vld.idx.msk [tilespmem:v26+s2+$0x0], $0xffff  }
0x4b: {  	v49 =	vld.idx.msk [tilespmem:v39+s9+$0x0], $0xffff;
	vm7 =	vge.f32 v18, v32;
	v47 =	vsel vm8, $0x20, v1;
	v30 =	vadd.s32 v41, v30  }
0x4c: {  	vm10 =	vge.f32 v19, v38;
	v45 =	vsel vm7, $0x1401, v6;
	v31 =	vadd.s32 v20, v43;
	v44 =	vld.idx.msk [tilespmem:v34+s2+$0x0], $0xffff  }
0x4d: {  	v55 =	vadd.s32 $0x253, v22;
	v31 =	vadd.s32 v45, v31;
	v41 =	vld.idx.msk [tilespmem:v62+s9+$0x0], $0xffff;
	vm9 =	vge.f32 v18, v27  }
0x4e: {  	v50 =	vadd.s32 v20, v47;
	v51 =	vsel vm10, $0x20, v1;
	v48 =	vsel vm9, $0x1801, v7;
	v52 =	vld.idx.msk [tilespmem:v28+s2+$0x0], $0xffff  }
0x4f: {  	vm11 =	vge.f32 v18, v42;
	v45 =	vld.idx.msk [tilespmem:v37+s9+$0x0], $0xffff;
	v25 =	vadd.s32 v48, v50;
	v26 =	vadd.f32 v26, v29  }
0x50: {  	v59 =	vadd.s32 $0x295, v22;
	v53 =	vsel vm11, $0x1C01, v8;
	v54 =	vld.idx.msk [tilespmem:v30+s2+$0x0], $0xffff;
	v29 =	vadd.s32 v20, v51  }
0x51: {  	v24 =	vld.idx.msk [tilespmem:v57+s9+$0x0], $0xffff;
	v28 =	vadd.s32 v53, v29;
	v26 =	vadd.f32 v44, v26  }
0x52: {  	v61 =	vadd.s32 $0x2B6, v21;
	v31 =	vld.idx.msk [tilespmem:v31+s2+$0x0], $0xffff  }
0x53: {  	vm12 =	vge.f32 v19, v46;
	v38 =	vadd.s32 $0x33A, v21;
	v27 =	vld.idx.msk [tilespmem:v55+s9+$0x0], $0xffff;
	v23 =	vadd.f32 v52, v26  }
0x54: {  	v46 =	vadd.s32 $0x3BE, v21;
	v56 =	vsel vm12, $0x20, v1;
	v63 =	vadd.s32 $0x2F8, v21;
	v25 =	vld.idx.msk [tilespmem:v25+s2+$0x0], $0xffff  }
0x55: {  	vm13 =	vge.f32 v18, v49;
	v40 =	vadd.s32 $0x35B, v22;
	v36 =	vld.idx.msk [tilespmem:v59+s9+$0x0], $0xffff;
	v23 =	vadd.f32 v54, v23  }
0x56: {  	v42 =	vadd.s32 $0x37C, v21;
	v58 =	vsel vm13, $0x2001, v9;
	v30 =	vadd.s32 v20, v56;
	v28 =	vld.idx.msk [tilespmem:v28+s2+$0x0], $0xffff  }
0x57: {  	v39 =	vld.idx.msk [tilespmem:v61+s9+$0x0], $0xffff;
	vm6 =	vge.f32 v19, v41;
	v60 =	vadd.s32 v58, v30;
	v23 =	vadd.f32 v31, v23  }
0x58: {  	v34 =	vld.idx.msk [tilespmem:v38+s9+$0x0], $0xffff;
	v21 =	vadd.s32 $0x400, v21;
	vm15 =	vge.f32 v18, v24;
	v44 =	vadd.s32 $0x39D, v22  }
0x59: {  	vm14 =	vge.f32 v19, v27;
	v32 =	vld.idx.msk [tilespmem:v63+s9+$0x0], $0xffff;
	v22 =	vadd.s32 $0x3DF, v22;
	v23 =	vadd.f32 v25, v23  }
0x5a: {  	vm8 =	vge.f32 v19, v45;
	v30 =	vld.idx.msk [tilespmem:v40+s9+$0x0], $0xffff;
	v47 =	vsel vm15, $0x2401, v10;
	v43 =	vsel vm14, $0x20, v1  }
0x5b: {  	vm4 =	vge.f32 v19, v36;
	v29 =	vld.idx.msk [tilespmem:v42+s9+$0x0], $0xffff;
	v23 =	vadd.f32 v28, v23;
	v28 =	vadd.s32 v20, v43  }
0x5c: {  	vm5 =	vge.f32 v18, v39;
	v48 =	vsel vm4, $0x20, v1;
	v26 =	vld.idx.msk [tilespmem:v60+s2+$0x0], $0xffff;
	v28 =	vadd.s32 v47, v28  }
0x5d: {  	v50 =	vsel vm6, $0x20, v1;
	v49 =	vsel vm5, $0x2801, v11;
	v51 =	vld.idx.msk [tilespmem:v44+s9+$0x0], $0xffff;
	v25 =	vadd.s32 v20, v48  }
0x5e: {  	vm9 =	vge.f32 v18, v34;
	vm7 =	vge.f32 v18, v32;
	v22 =	vld.idx.msk [tilespmem:v22+s9+$0x0], $0xffff;
	v25 =	vadd.s32 v49, v25  }
0x5f: {  	vm10 =	vge.f32 v19, v30;
	v32 =	vadd.s32 v20, v50;
	v52 =	vsel vm7, $0x2C01, v12;
	v31 =	vld.idx.msk [tilespmem:v46+s9+$0x0], $0xffff  }
0x60: {  	v21 =	vld.idx.msk [tilespmem:v21+s9+$0x0], $0xffff;
	v55 =	vsel vm9, $0x3001, v13;
	v27 =	vadd.s32 v52, v32;
	v54 =	vsel vm8, $0x20, v1  }
0x61: {  	v56 =	vsel vm10, $0x20, v1;
	vm11 =	vge.f32 v18, v29;
	v53 =	vld.idx.msk [tilespmem:v28+s2+$0x0], $0xffff;
	v28 =	vadd.s32 v20, v54  }
0x62: {  	v29 =	vadd.s32 v20, v56;
	v57 =	vsel vm11, $0x3401, v14;
	v28 =	vadd.s32 v55, v28  }
0x63: {  	v58 =	vadd.s32 v57, v29;
	vm12 =	vge.f32 v19, v51;
	vm13 =	vge.f32 v19, v22;
	v25 =	vld.idx.msk [tilespmem:v25+s2+$0x0], $0xffff  }
0x64: {  	v19 =	vsel vm12, $0x20, v1;
	vm14 =	vge.f32 v18, v31;
	v23 =	vadd.f32 v26, v23  }
0x65: {  	vm15 =	vge.f32 v18, v21;
	v27 =	vld.idx.msk [tilespmem:v27+s2+$0x0], $0xffff;
	v19 =	vadd.s32 v20, v19;
	v59 =	vsel vm14, $0x3801, v15  }
0x66: {  	v60 =	vsel vm13, $0x20, v1;
	v19 =	vadd.s32 v59, v19;
	v18 =	vadd.f32 v53, v23  }
0x67: {  	v62 =	vsel vm15, $0x3C01, v16;
	v20 =	vadd.s32 v20, v60;
	v61 =	vld.idx.msk [tilespmem:v28+s2+$0x0], $0xffff  }
0x68: {  	v20 =	vadd.s32 v62, v20;
	v18 =	vadd.f32 v25, v18  }
0x69: {  	v63 =	vld.idx.msk [tilespmem:v58+s2+$0x0], $0xffff  }
0x6a: {  	v18 =	vadd.f32 v27, v18  }
0x6b: {  	v19 =	vld.idx.msk [tilespmem:v19+s2+$0x0], $0xffff  }
0x6c: {  	v18 =	vadd.f32 v61, v18  }
0x6d: {  	v20 =	vld.idx.msk [tilespmem:v20+s2+$0x0], $0xffff  }
0x6e: {  	v18 =	vadd.f32 v63, v18  }
0x6f: {  	p0 =	sne.s32 s19, $0x70  }
.Ltmp0:
0x70: {  	v18 =	vadd.f32 v19, v18;
	(pc) =	sbr.rel @p0 .LBB2_2-.Ltmp0, $3  }
0x71: {  	_ = 	snop  }
0x72: {  	v18 =	vadd.f32 v20, v18;
	_ =	sdelay $0x1  }
0x73: {  	s19 =	sadd.s32 $0x10, s19;
	[tilespmem:v17+s16+$0x0] =	vst.idx.msk $0xffff, v18  }
0x74: {  	s18 =	sadd.s32 $0x1, s18  }
0x75: {  	p0 =	sne.s32 s18, s8  }
.Ltmp1:
0x76: {  	_ = 	snop;
	(pc) =	sbr.rel @p0 .LBB2_1-.Ltmp1, $4  }
0x77: {  	[hbm4b:s7+s2] =	stream.linear.scatter [tilespmem:s16], [sflag:$0x5], $0x80, $0x38;
	[tilespmem:$0x4600] =	vst v63  }
0x78: {  	_ =	swait.ge [sflag:s17], $0x80  }
0x79: {  	[sflag:s17] =	ssyncset.done $0x0  }
0x7a: {  	[sflag:s17] =	ssyncadd.s32 $0xFFFFFF80  }
0x7b: {  	_ =	sfence.sel $0x180000  }
0x7c: {  	[bflag:$0x0] =	sbarrier.arrive $0xFFFF  }
0x7d: {  	p0 =	sne.s32 s1, $0x0;
	_ =	strace $0x90000047  }
0x7e: {  	s0 =	sadd.s32 @!p0 $0x100000, s0;
	[bflag:$0x2] =	sbarrier.arrive $0xFFFF  }
0x7f: {  	[sflag:s0] =	ssyncadd.tile.s32 @!p0 $0x1;
	_ =	shalt  }
.Lfunc_end2:
_tile_overlayer_lowered:
.L_overlay_start_2:
0x80: {  	(tag) =	ssettag $0x2  }
0x81: {  	s0 =	rddreg [dreg:$0x0];
	s2 =	stileid.u32  }
0x82: {  	s1 =	rddreg [dreg:$0x1];
	p0 =	sne.s32 s2, $0x0  }
0x83: {  	s3 =	rddreg [dreg:$0x2];
	[bflag:$0x3] =	sbarrier.arrive $0xFFFF;
	s2 =	simm.s32 @!p0 $0x1C05  }
0x84: {  	[timem:s3], [sflag:s2] =	dma.local @!p0 [hbm:s0], s1  }
0x85: {  	s0 =	simm.s32 @!p0 $0x5  }
0x86: {  	_ =	swait.ge @!p0 [sflag:s0], s1  }
0x87: {  	s1 =	ssub.s32 @!p0 $0x0, s1;
	[sflag:s0] =	ssyncset.done @!p0 $0x0  }
0x88: {  	[sflag:s0] =	ssyncadd.s32 @!p0 s1  }
0x89: {  	[bflag:$0x3] =	sbarrier.arrive $0xFFFF  }
0x8a: {  	_ =	shalt  }

</sc_bundles>
